<compile_context>
chip_gen: v7x
topology: tpu7x:2x2x1
jax: 0.10.2.dev20260603
libtpu: 0.0.44.dev20260713+nightly
codegen_flags: <defaults>
</compile_context>

<pallas_src>
import functools

import jax
import jax.numpy as jnp
from jax import lax
from jax.experimental import pallas as pl
from jax.experimental.pallas import tpu as pltpu
from jax.experimental.pallas import tpu_sc as plsc

N = 10000
E = 320000
T = 8
D = 128
GRU_H = 256

NC = 2
NS = 16
NW = NC * NS
EPW = E // NW
K = 640
NCH = 16
EPW_PAD = NCH * K
RPT = N // NS
SINK = N
NBUF = 2
ISLOT = 4

_mesh = plsc.VectorSubcoreMesh(core_axis_name="c", subcore_axis_name="s")
_sc_params = pltpu.CompilerParams(use_tc_tiling_on_sc=False,
                                  needs_layout_passes=False)


def _deg_body(dst_hbm, out_hbm, idx_v, hist_v, sem):
    c = lax.axis_index("c")
    s = lax.axis_index("s")
    w = c * NS + s

    @pl.loop(0, T)
    def _t(t):
        @pl.loop(0, RPT)
        def _z(i):
            hist_v[i, :] = jnp.zeros((16,), jnp.float32)

        pltpu.async_copy(dst_hbm.at[t, pl.ds(w * EPW, EPW)], idx_v, sem).wait()

        ones = jnp.ones((16,), jnp.float32)

        @pl.loop(0, EPW // 16)
        def _e(i):
            idx = idx_v[pl.ds(i * 16, 16)]
            hi = jax.lax.shift_right_logical(idx, 4)
            lo = jnp.bitwise_and(idx, jnp.full((16,), 15, jnp.int32))
            plsc.addupdate_scatter(hist_v, [hi, lo], ones)

        pltpu.async_copy(hist_v, out_hbm.at[w, t], sem).wait()


@jax.jit
def _sc_deg(dst):
    kern = pl.kernel(
        _deg_body,
        out_type=jax.ShapeDtypeStruct((NW, T, RPT, 16), jnp.float32),
        mesh=_mesh,
        compiler_params=_sc_params,
        scratch_types=[
            pltpu.VMEM((EPW,), jnp.int32),
            pltpu.VMEM((RPT, 16), jnp.float32),
            pltpu.SemaphoreType.DMA,
        ],
    )
    return kern(dst)


def _agg_body(y_hbm, srcp_hbm, dstp_hbm, zeros_hbm, out_hbm, accum,
              isrc, idst, rows, sem_i, sem_g, sem_s, sem_z):
    c = lax.axis_index("c")
    s = lax.axis_index("s")
    w = c * NS + s

    def idx_pair(t, g, slot):
        return (pltpu.make_async_copy(srcp_hbm.at[t, w, g], isrc[slot], sem_i[slot]),
                pltpu.make_async_copy(dstp_hbm.at[t, w, g], idst[slot], sem_i[slot]))

    def gather_d(slot, b):
        return pltpu.make_async_copy(y_hbm.at[isrc[slot]], rows[b], sem_g[b])

    def scat_d(slot, b):
        return pltpu.make_async_copy(rows[b], accum.at[idst[slot]], sem_s[b])

    @pl.loop(0, T)
    def _t(t):
        pltpu.async_copy(zeros_hbm, accum.at[pl.ds(s * RPT, RPT)], sem_z)
        for g in range(NBUF):
            for d_ in idx_pair(t, g, g % ISLOT):
                d_.start()
        pltpu.make_async_copy(zeros_hbm, accum.at[pl.ds(s * RPT, RPT)],
                              sem_z).wait()
        plsc.subcore_barrier()

        @pl.loop(0, NCH, step=ISLOT)
        def _g(g0):
            for b in range(ISLOT):
                gg = g0 + b
                rb = b % NBUF

                @pl.when(gg >= NBUF)
                def _w0():
                    scat_d((b - NBUF) % ISLOT, rb).wait()

                for d_ in idx_pair(t, gg, b):
                    d_.wait()
                pltpu.async_copy(y_hbm.at[isrc[b]], rows[rb], sem_g[rb])

                @pl.when(gg + NBUF < NCH)
                def _w1():
                    for d_ in idx_pair(t, gg + NBUF, (b + NBUF) % ISLOT):
                        d_.start()

                @pl.when(gg >= 1)
                def _w2():
                    pb = (b - 1) % NBUF
                    gather_d((b - 1) % ISLOT, pb).wait()
                    pltpu.async_copy(rows[pb], accum.at[idst[(b - 1) % ISLOT]],
                                     sem_s[pb], add=True)

        lb = (NCH - 1) % NBUF
        ls = (NCH - 1) % ISLOT
        gather_d(ls, lb).wait()
        pltpu.async_copy(rows[lb], accum.at[idst[ls]], sem_s[lb], add=True)
        for gg in range(NCH - NBUF, NCH):
            scat_d(gg % ISLOT, gg % NBUF).wait()

        plsc.subcore_barrier()
        pltpu.sync_copy(accum.at[pl.ds(s * RPT, RPT)],
                        out_hbm.at[c, t, pl.ds(s * RPT, RPT)])


def _agg_call(y, srcp, dstp, zrows):
    kern = pl.kernel(
        _agg_body,
        out_type=jax.ShapeDtypeStruct((NC, T, N, D), jnp.bfloat16),
        mesh=_mesh,
        compiler_params=_sc_params,
        scratch_types=[
            pltpu.VMEM_SHARED((N + 16, D), jnp.bfloat16),
            [pltpu.VMEM((K,), jnp.int32) for _ in range(ISLOT)],
            [pltpu.VMEM((K,), jnp.int32) for _ in range(ISLOT)],
            [pltpu.VMEM((K, D), jnp.bfloat16) for _ in range(NBUF)],
            [pltpu.SemaphoreType.DMA for _ in range(ISLOT)],
            [pltpu.SemaphoreType.DMA for _ in range(NBUF)],
            [pltpu.SemaphoreType.DMA for _ in range(NBUF)],
            pltpu.SemaphoreType.DMA,
        ],
    )
    return kern(y, srcp, dstp, zrows)


_RB = 1000
_NRB = T * N // _RB


def _tca_body(x_ref, w_ref, degp_ref, y_ref):
    deg = jnp.sum(degp_ref[...], axis=1) + 1.0
    dinv = jax.lax.rsqrt(deg)
    xw = jnp.dot(x_ref[...], w_ref[...], preferred_element_type=jnp.float32)
    y_ref[...] = (xw * dinv[:, None]).astype(jnp.bfloat16)


@jax.jit
def _tc_a(x2d, W1, degpt):
    return pl.pallas_call(
        _tca_body,
        grid=(_NRB,),
        in_specs=[
            pl.BlockSpec((_RB, D), lambda i: (i, 0)),
            pl.BlockSpec((D, D), lambda i: (0, 0)),
            pl.BlockSpec((_RB, NW), lambda i: (i, 0)),
        ],
        out_specs=pl.BlockSpec((_RB, D), lambda i: (i, 0)),
        out_shape=jax.ShapeDtypeStruct((T * N, D), jnp.bfloat16),
    )(x2d, W1, degpt)


def _tcb_body(aggp_ref, y1_ref, degp_ref, w_ref, b_ref, y2_ref):
    deg = jnp.sum(degp_ref[...], axis=1) + 1.0
    dinv = jax.lax.rsqrt(deg)[:, None]
    a = (aggp_ref[0].astype(jnp.float32) + aggp_ref[1].astype(jnp.float32)
         + y1_ref[...].astype(jnp.float32))
    h1 = jnp.maximum(a * dinv + b_ref[...], 0.0)
    y2_ref[...] = (jnp.dot(h1, w_ref[...], preferred_element_type=jnp.float32)
                   * dinv).astype(jnp.bfloat16)


@jax.jit
def _tc_b(aggp, y1, degpt, W2, b1):
    return pl.pallas_call(
        _tcb_body,
        grid=(_NRB,),
        in_specs=[
            pl.BlockSpec((NC, _RB, D), lambda i: (0, i, 0)),
            pl.BlockSpec((_RB, D), lambda i: (i, 0)),
            pl.BlockSpec((_RB, NW), lambda i: (i, 0)),
            pl.BlockSpec((D, D), lambda i: (0, 0)),
            pl.BlockSpec((1, D), lambda i: (0, 0)),
        ],
        out_specs=pl.BlockSpec((_RB, D), lambda i: (i, 0)),
        out_shape=jax.ShapeDtypeStruct((T * N, D), jnp.bfloat16),
    )(aggp, y1, degpt, W2, b1)


def _tcc_body(aggp_ref, y2_ref, degp_ref, b_ref, emb_ref):
    j = pl.program_id(1)

    @pl.when(j == 0)
    def _():
        emb_ref[...] = jnp.zeros_like(emb_ref)

    deg = jnp.sum(degp_ref[...], axis=1) + 1.0
    dinv = jax.lax.rsqrt(deg)[:, None]
    a = (aggp_ref[0].astype(jnp.float32) + aggp_ref[1].astype(jnp.float32)
         + y2_ref[...].astype(jnp.float32))
    h2 = jnp.maximum(a * dinv + b_ref[...], 0.0)
    emb_ref[0, 0:1, :] += jnp.sum(h2, axis=0, keepdims=True) * (1.0 / N)


@jax.jit
def _tc_c(aggp, y2, degpt, b2):
    npt = N // _RB

    return pl.pallas_call(
        _tcc_body,
        grid=(T, npt),
        in_specs=[
            pl.BlockSpec((NC, _RB, D), lambda t, j: (0, t * npt + j, 0)),
            pl.BlockSpec((_RB, D), lambda t, j: (t * npt + j, 0)),
            pl.BlockSpec((_RB, NW), lambda t, j: (t * npt + j, 0)),
            pl.BlockSpec((1, D), lambda t, j: (0, 0)),
        ],
        out_specs=pl.BlockSpec((1, 8, D), lambda t, j: (t, 0, 0)),
        out_shape=jax.ShapeDtypeStruct((T, 8, D), jnp.float32),
    )(aggp, y2, degpt, b2)


def _gru_body(emb_ref, wih_ref, whh_ref, bih_ref, bhh_ref, wc_ref, bc_ref,
              out_ref):
    h = jnp.zeros((1, GRU_H), jnp.float32)
    for t in range(T):
        xt = emb_ref[pl.ds(t, 1), :]
        gi = jnp.dot(xt, wih_ref[...],
                     preferred_element_type=jnp.float32) + bih_ref[...]
        gh = jnp.dot(h, whh_ref[...],
                     preferred_element_type=jnp.float32) + bhh_ref[...]
        r = jax.nn.sigmoid(gi[:, :GRU_H] + gh[:, :GRU_H])
        z = jax.nn.sigmoid(gi[:, GRU_H:2 * GRU_H] + gh[:, GRU_H:2 * GRU_H])
        n = jnp.tanh(gi[:, 2 * GRU_H:] + r * gh[:, 2 * GRU_H:])
        h = (1.0 - z) * n + z * h
    out_ref[...] = jnp.dot(h, wc_ref[...],
                           preferred_element_type=jnp.float32) + bc_ref[...]


@jax.jit
def _tc_gru(emb, wihT, whhT, bih, bhh, wcT, bc):
    return pl.pallas_call(
        _gru_body,
        out_shape=jax.ShapeDtypeStruct((1, D), jnp.float32),
    )(emb, wihT, whhT, bih, bhh, wcT, bc)


def kernel(x, edge_index, W1, b1, W2, b2, W_ih, W_hh, b_ih, b_hh, Wc, bc):
    ei = edge_index.astype(jnp.int32)
    src = ei[:, 0, :]
    dst = ei[:, 1, :]

    srcg = src + (jnp.arange(T, dtype=jnp.int32) * N)[:, None]
    pad = ((0, 0), (0, 0), (0, EPW_PAD - EPW))
    srcp = jnp.pad(srcg.reshape(T, NW, EPW), pad,
                   constant_values=0).reshape(T, NW, NCH, K)
    dstp = jnp.pad(dst.reshape(T, NW, EPW), pad,
                   constant_values=SINK).reshape(T, NW, NCH, K)
    zrows = jnp.zeros((RPT, D), jnp.bfloat16)

    degp = _sc_deg(dst)
    degpt = degp.reshape(NW, T * N).T

    x2d = x.reshape(T * N, D)
    y1 = _tc_a(x2d, W1, degpt)
    aggp1 = _agg_call(y1, srcp, dstp, zrows)
    y2 = _tc_b(aggp1.reshape(NC, T * N, D), y1, degpt, W2, b1[None, :])
    aggp2 = _agg_call(y2, srcp, dstp, zrows)
    emb = _tc_c(aggp2.reshape(NC, T * N, D), y2, degpt, b2[None, :])[:, 0, :]

    wcT = jnp.zeros((GRU_H, D), jnp.float32).at[:, :10].set(Wc.T)
    bcp = jnp.zeros((1, D), jnp.float32).at[0, :10].set(bc)
    logits = _tc_gru(emb, W_ih.T, W_hh.T, b_ih[None, :], b_hh[None, :],
                     wcT, bcp)
    return logits[:, :10]

# --- scband reference (transcript-rebuilt; emitter-appended) ---
"""Pipeline reference for scband-trace-model-82540681494887 (READ-ONLY COPY).

The authoritative reference and input builder live on the scoring server;
editing this copy changes nothing except your own understanding.
"""

import jax, jax.numpy as jnp
import numpy as np

N = 10000
E = 320000
T = 8
D_IN = 128
H1 = 128
GNN_OUT = 128
GRU_H = 256
N_CLS = 10


def gcn_conv(x, src, dst, W, b, num_nodes):
    # GCNConv: add self-loops, symmetric normalization, aggregate, bias
    loop = jnp.arange(num_nodes, dtype=src.dtype)
    src_l = jnp.concatenate([src, loop])
    dst_l = jnp.concatenate([dst, loop])
    xw = x @ W
    deg = jnp.zeros((num_nodes,), dtype=x.dtype).at[dst_l].add(1.0)
    dinv = jnp.where(deg > 0, deg ** -0.5, 0.0)
    norm = dinv[src_l] * dinv[dst_l]
    msg = xw[src_l] * norm[:, None]
    out = jax.ops.segment_sum(msg, dst_l, num_segments=num_nodes)
    return out + b


def gru_last_hidden(seq, W_ih, W_hh, b_ih, b_hh):
    # seq: [T, input_size]; PyTorch GRU cell semantics, single layer, batch=1
    h = jnp.zeros((GRU_H,), dtype=seq.dtype)
    for t in range(seq.shape[0]):
        xt = seq[t]
        gi = W_ih @ xt + b_ih
        gh = W_hh @ h + b_hh
        r = jax.nn.sigmoid(gi[:GRU_H] + gh[:GRU_H])
        z = jax.nn.sigmoid(gi[GRU_H:2 * GRU_H] + gh[GRU_H:2 * GRU_H])
        n = jnp.tanh(gi[2 * GRU_H:] + r * gh[2 * GRU_H:])
        h = (1.0 - z) * n + z * h
    return h


def setup_inputs(seed: int = 0) -> dict:
    key = jax.random.key(seed)
    ks = jax.random.split(key, 16)
    x = jax.random.normal(ks[0], (T, N, D_IN), dtype=jnp.float32)
    edge_index = jax.random.randint(ks[1], (T, 2, E), 0, N, dtype=jnp.int64)
    W1 = jax.random.normal(ks[2], (D_IN, H1), dtype=jnp.float32) * 0.05
    b1 = jnp.zeros((H1,), dtype=jnp.float32)
    W2 = jax.random.normal(ks[3], (H1, GNN_OUT), dtype=jnp.float32) * 0.05
    b2 = jnp.zeros((GNN_OUT,), dtype=jnp.float32)
    W_ih = jax.random.normal(ks[4], (3 * GRU_H, GNN_OUT), dtype=jnp.float32) * 0.05
    W_hh = jax.random.normal(ks[5], (3 * GRU_H, GRU_H), dtype=jnp.float32) * 0.05
    b_ih = jnp.zeros((3 * GRU_H,), dtype=jnp.float32)
    b_hh = jnp.zeros((3 * GRU_H,), dtype=jnp.float32)
    Wc = jax.random.normal(ks[6], (N_CLS, GRU_H), dtype=jnp.float32) * 0.05
    bc = jnp.zeros((N_CLS,), dtype=jnp.float32)
    return {"x": x, "edge_index": edge_index, "W1": W1, "b1": b1, "W2": W2, "b2": b2,
            "W_ih": W_ih, "W_hh": W_hh, "b_ih": b_ih, "b_hh": b_hh, "Wc": Wc, "bc": bc}


def reference(x, edge_index, W1, b1, W2, b2, W_ih, W_hh, b_ih, b_hh, Wc, bc):
    embs = []
    for t in range(T):
        src = edge_index[t, 0]
        dst = edge_index[t, 1]
        h = jax.nn.relu(gcn_conv(x[t], src, dst, W1, b1, N))
        h = jax.nn.relu(gcn_conv(h, src, dst, W2, b2, N))
        # global_mean_pool with batch=zeros -> mean over all nodes -> [1, GNN_OUT]
        embs.append(jnp.mean(h, axis=0))
    seq = jnp.stack(embs, axis=0)  # [T, GNN_OUT] (batch=1 graph stream)
    trace_rep = gru_last_hidden(seq, W_ih, W_hh, b_ih, b_hh)  # [GRU_H]
    out = trace_rep @ Wc.T + bc
    return out[None, :]  # [1, N_CLS]

if __name__ == "__main__":
    import jax
    _d = setup_inputs()
    print(jax.jit(kernel)(*tuple(_d.values())))

</pallas_src>

<mosaic_0001>
#map = affine_map<(d0, d1) -> (0, 0)>
#map1 = affine_map<(d0, d1) -> (0, 0, 0, 0)>
module attributes {stable_mosaic.version = 14 : i64} {
  func.func @_deg_body(%arg0: i32, %arg1: i32, %arg2: memref<8x320000xi32, #tpu.memory_space<hbm>>, %arg3: memref<32x8x625x16xf32, #tpu.memory_space<hbm>>, %arg4: memref<10000xi32, #tpu.memory_space<vmem>>, %arg5: memref<625x16xf32, #tpu.memory_space<vmem>>, %arg6: memref<!tpu.dma_semaphore, #tpu.memory_space<semaphore_mem>>) attributes {dimension_semantics = [#tpu.dimension_semantics<core_parallel>, #tpu.dimension_semantics<subcore_parallel>], iteration_bounds = array<i64: 2, 16>, scalar_prefetch = 0 : i64, scratch_operands = 3 : i64, tpu.core_type = #tpu.core_type<sc_vector_subcore>, window_params = [{transform_indices = #map}, {transform_indices = #map1}]} {
    %mul3A = arith.constant 16 : i32
    %mul3A_0 = arith.muli %arg0, %mul3A : i32
    %add3A = arith.addi %mul3A_0, %arg1 : i32
    %scan3A = arith.constant 0 : i32
    %scan3A_1 = arith.constant 8 : i32
    %scan3A_2 = arith.addi %scan3A, %scan3A_1 : i32
    %scan3A_3 = arith.constant 1 : i32
    scf.for %scan3A_5 = %scan3A to %scan3A_2 step %scan3A_3  : i32 {
      %mul3A_6 = arith.constant 1 : i32
      %mul3A_7 = arith.muli %scan3A_5, %mul3A_6 : i32
      %add3A_8 = arith.constant 0 : i32
      %add3A_9 = arith.addi %add3A_8, %mul3A_7 : i32
      %scan3A_10 = arith.constant 0 : i32
      %scan3A_11 = arith.constant 625 : i32
      %scan3A_12 = arith.addi %scan3A_10, %scan3A_11 : i32
      %scan3A_13 = arith.constant 1 : i32
      scf.for %scan3A_45 = %scan3A_10 to %scan3A_12 step %scan3A_13  : i32 {
        %mul3A_46 = arith.constant 1 : i32
        %mul3A_47 = arith.muli %scan3A_45, %mul3A_46 : i32
        %add3A_48 = arith.constant 0 : i32
        %add3A_49 = arith.addi %add3A_48, %mul3A_47 : i32
        %broadcast_in_dim3A_50 = arith.constant 0.000000e+00 : f32
        %broadcast_in_dim3A_51 = vector.broadcast %broadcast_in_dim3A_50 : f32 to vector<16xf32>
        %swap3A = arith.index_cast %add3A_49 : i32 to index
        %swap3A_52 = arith.constant 0 : index
        %swap3A_53 = tpu.vector_load %arg5[%swap3A, %swap3A_52] {strides = array<i32>} : memref<625x16xf32, #tpu.memory_space<vmem>>, vector<16xf32>,
        tpu.vector_store %arg5[%swap3A, %swap3A_52], %broadcast_in_dim3A_51 {strides = array<i32>} : memref<625x16xf32, #tpu.memory_space<vmem>>, vector<16xf32>,
      }
      %scan3A_14 = arith.constant 625 : i32
      %mul3A_15 = arith.constant 10000 : i32
      %mul3A_16 = arith.muli %add3A, %mul3A_15 : i32
      %dma_start3A = tpu.memref_slice %arg2[%add3A_9, %mul3A_16] : memref<8x320000xi32, #tpu.memory_space<hbm>> -> memref<1x10000xi32, #tpu.memory_space<hbm>>
      %dma_start3A_17 = tpu.memref_squeeze %dma_start3A : memref<1x10000xi32, #tpu.memory_space<hbm>> -> memref<10000xi32, #tpu.memory_space<hbm>>
      %dma_start3A_18 = tpu.memref_slice %arg2[%add3A_9, %mul3A_16] : memref<8x320000xi32, #tpu.memory_space<hbm>> -> memref<1x10000xi32, #tpu.memory_space<hbm>>
      %dma_start3A_19 = tpu.memref_squeeze %dma_start3A_18 : memref<1x10000xi32, #tpu.memory_space<hbm>> -> memref<10000xi32, #tpu.memory_space<hbm>>
      tpu.enqueue_dma source(%dma_start3A_19 : memref<10000xi32, #tpu.memory_space<hbm>>) target(%arg4 : memref<10000xi32, #tpu.memory_space<vmem>>) target_semaphore(%arg6 : memref<!tpu.dma_semaphore, #tpu.memory_space<semaphore_mem>>)
      %dma_wait3A = tpu.memref_slice %arg2[%add3A_9, %mul3A_16] : memref<8x320000xi32, #tpu.memory_space<hbm>> -> memref<1x10000xi32, #tpu.memory_space<hbm>>
      %dma_wait3A_20 = tpu.memref_squeeze %dma_wait3A : memref<1x10000xi32, #tpu.memory_space<hbm>> -> memref<10000xi32, #tpu.memory_space<hbm>>
      %dma_wait3A_21 = tpu.memref_slice %arg2[%add3A_9, %mul3A_16] : memref<8x320000xi32, #tpu.memory_space<hbm>> -> memref<1x10000xi32, #tpu.memory_space<hbm>>
      %dma_wait3A_22 = tpu.memref_squeeze %dma_wait3A_21 : memref<1x10000xi32, #tpu.memory_space<hbm>> -> memref<10000xi32, #tpu.memory_space<hbm>>
      tpu.wait_dma2 semaphore(%arg6 : memref<!tpu.dma_semaphore, #tpu.memory_space<semaphore_mem>>) src(%dma_wait3A_22 : memref<10000xi32, #tpu.memory_space<hbm>>) dst(%arg4 : memref<10000xi32, #tpu.memory_space<vmem>>)
      %broadcast_in_dim3A = arith.constant 1.000000e+00 : f32
      %broadcast_in_dim3A_23 = vector.broadcast %broadcast_in_dim3A : f32 to vector<16xf32>
      %scan3A_24 = arith.constant 0 : i32
      %scan3A_25 = arith.constant 625 : i32
      %scan3A_26 = arith.addi %scan3A_24, %scan3A_25 : i32
      %scan3A_27 = arith.constant 1 : i32
      scf.for %scan3A_45 = %scan3A_24 to %scan3A_26 step %scan3A_27  : i32 {
        %mul3A_46 = arith.constant 1 : i32
        %mul3A_47 = arith.muli %scan3A_45, %mul3A_46 : i32
        %add3A_48 = arith.constant 0 : i32
        %add3A_49 = arith.addi %add3A_48, %mul3A_47 : i32
        %mul3A_50 = arith.constant 16 : i32
        %mul3A_51 = arith.muli %add3A_49, %mul3A_50 : i32
        %get3A = arith.index_cast %mul3A_51 : i32 to index
        %get3A_52 = tpu.vector_load %arg4[%get3A] {strides = array<i32>} : memref<10000xi32, #tpu.memory_space<vmem>>, vector<16xi32>,
        %shift_right_logical3A = arith.constant 4 : i32
        %shift_right_logical3A_53 = vector.broadcast %shift_right_logical3A : i32 to vector<16xi32>
        %shift_right_logical3A_54 = arith.shrui %get3A_52, %shift_right_logical3A_53 : vector<16xi32>
        %broadcast_in_dim3A_55 = arith.constant 15 : i32
        %broadcast_in_dim3A_56 = vector.broadcast %broadcast_in_dim3A_55 : i32 to vector<16xi32>
        %and3A = arith.andi %get3A_52, %broadcast_in_dim3A_56 : vector<16xi32>
        tpu.vector_store_idx %arg5[%shift_right_logical3A_54, %and3A], %broadcast_in_dim3A_23 {add = true} : memref<625x16xf32, #tpu.memory_space<vmem>>[vector<16xi32>, vector<16xi32>], vector<16xf32>,
      }
      %scan3A_28 = arith.constant 625 : i32
      %dma_start3A_29 = arith.constant 0 : i32
      %dma_start3A_30 = arith.constant 0 : i32
      %dma_start3A_31 = tpu.memref_slice %arg3[%add3A, %add3A_9, %dma_start3A_29, %dma_start3A_30] : memref<32x8x625x16xf32, #tpu.memory_space<hbm>> -> memref<1x1x625x16xf32, #tpu.memory_space<hbm>>
      %dma_start3A_32 = tpu.memref_squeeze %dma_start3A_31 : memref<1x1x625x16xf32, #tpu.memory_space<hbm>> -> memref<625x16xf32, #tpu.memory_space<hbm>>
      %dma_start3A_33 = arith.constant 0 : i32
      %dma_start3A_34 = arith.constant 0 : i32
      %dma_start3A_35 = tpu.memref_slice %arg3[%add3A, %add3A_9, %dma_start3A_33, %dma_start3A_34] : memref<32x8x625x16xf32, #tpu.memory_space<hbm>> -> memref<1x1x625x16xf32, #tpu.memory_space<hbm>>
      %dma_start3A_36 = tpu.memref_squeeze %dma_start3A_35 : memref<1x1x625x16xf32, #tpu.memory_space<hbm>> -> memref<625x16xf32, #tpu.memory_space<hbm>>
      tpu.enqueue_dma source(%arg5 : memref<625x16xf32, #tpu.memory_space<vmem>>) target(%dma_start3A_36 : memref<625x16xf32, #tpu.memory_space<hbm>>) target_semaphore(%arg6 : memref<!tpu.dma_semaphore, #tpu.memory_space<semaphore_mem>>)
      %dma_wait3A_37 = arith.constant 0 : i32
      %dma_wait3A_38 = arith.constant 0 : i32
      %dma_wait3A_39 = tpu.memref_slice %arg3[%add3A, %add3A_9, %dma_wait3A_37, %dma_wait3A_38] : memref<32x8x625x16xf32, #tpu.memory_space<hbm>> -> memref<1x1x625x16xf32, #tpu.memory_space<hbm>>
      %dma_wait3A_40 = tpu.memref_squeeze %dma_wait3A_39 : memref<1x1x625x16xf32, #tpu.memory_space<hbm>> -> memref<625x16xf32, #tpu.memory_space<hbm>>
      %dma_wait3A_41 = arith.constant 0 : i32
      %dma_wait3A_42 = arith.constant 0 : i32
      %dma_wait3A_43 = tpu.memref_slice %arg3[%add3A, %add3A_9, %dma_wait3A_41, %dma_wait3A_42] : memref<32x8x625x16xf32, #tpu.memory_space<hbm>> -> memref<1x1x625x16xf32, #tpu.memory_space<hbm>>
      %dma_wait3A_44 = tpu.memref_squeeze %dma_wait3A_43 : memref<1x1x625x16xf32, #tpu.memory_space<hbm>> -> memref<625x16xf32, #tpu.memory_space<hbm>>
      tpu.wait_dma2 semaphore(%arg6 : memref<!tpu.dma_semaphore, #tpu.memory_space<semaphore_mem>>) src(%arg5 : memref<625x16xf32, #tpu.memory_space<vmem>>) dst(%dma_wait3A_44 : memref<625x16xf32, #tpu.memory_space<hbm>>)
    }
    %scan3A_4 = arith.constant 8 : i32
    return
  }
}

</mosaic_0001>

<sc_bundles>
// kernel: _sc_deg.3.cloned.1.call-start
scs
__scs_entry_jumppad:
0x0: {  	(pc) =	sbr.rel $0x88, $3  }
0x1: {  	(tag) =	ssettag $0x0;
	lr =	simm.s32 $0x1  }
0x2: {  	[smem:$0x3FA0] =	sst lr;
	_ =	strace $0xD0000000  }
0x3: {  	_ = 	snop  }
0x4: {  	_ = 	snop  }
0x5: {  	_ = 	snop  }
0x6: {  	_ = 	snop  }
0x7: {  	_ = 	snop  }
__scs_overlays_trampoline_lowered:
0x8: {  	[smem:$0x3FAF] =	sst s0  }
0x9: {  	[smem:$0x3FB0] =	sst s1  }
0xa: {  	[smem:$0x3FB1] =	sst s2  }
0xb: {  	[smem:$0x3FB2] =	sst s3  }
0xc: {  	[smem:$0x3FB3] =	sst s4  }
0xd: {  	[smem:$0x3FB4] =	sst s5  }
0xe: {  	[smem:$0x3FB5] =	sst s6  }
0xf: {  	[smem:$0x3FB6] =	sst s7  }
0x10: {  	[smem:$0x3FB7] =	sst s8  }
0x11: {  	[smem:$0x3FB8] =	sst s9;
	s0 =	simm.s32 @!p0 $0x0  }
0x12: {  	s1 =	sld [smem:$0x3F9E];
	s0 =	simm.s32 @p0 $0x1  }
0x13: {  	[smem:$0x3FB9] =	sst s0;
	s0 =	simm.s32 @!p1 $0x0  }
0x14: {  	s2 =	sld [smem:$0x3F9D];
	s0 =	simm.s32 @p1 $0x1  }
0x15: {  	[smem:$0x3FBA] =	sst s0;
	s0 =	simm.s32 @!p2 $0x0  }
0x16: {  	s3 =	sld [smem:$0x3FDB];
	s0 =	simm.s32 @p2 $0x1  }
0x17: {  	s4 =	simm.s32 $0x1BF5;
	[smem:$0x3FBC] =	sst s0  }
0x18: {  	s0 =	sld [smem:$0x3F9F];
	_ =	swait.ge [sflag:s4], $0x0  }
0x19: {  	s7 =	sld [smem:$0x3FA0]  }
0x1a: {  	s8 =	sadd.s32 $0xFFFFE003, lr  }
0x1b: {  	s9 =	sadd.s32 $0xFFFFFEF7, lr;
	s5 =	simm.s32 $0xFFFFFFFF;
	p2 =	slt.u32 s8, $0xFFFFF086  }
0x1c: {  	p1 =	slt.u32 s9, $0xF7A;
	s5 =	simm.s32 @!p2 $0x0  }
0x1d: {  	s5 =	simm.s32 @p1 $0x1;
	p0 =	seq.s32 s7, s2  }
0x1e: {  	s7 =	smul.u32 @!p0 $0xF7A, s2;
	p2 =	seq.s32 @!p0 s5, $0x0  }
0x1f: {  	s9 =	smul.u32 $0xF7A, s1;
	s8 =	simm.s32 @!p0 $0x1BF5;
	p2 =	por !p2, p0  }
0x20: {  	[sflag:s8] =	ssyncset.s32 @!p0 $0xFFFFF086;
	s6 =	sadd.s32 @!p0 s3, s7;
	s7 =	simm.s32 @!p0 $0x108  }
0x21: {  	s3 =	sadd.s32 s3, s9;
	s6 =	sadd.s32 @!p0 $0x88, s6;
	s7 =	simm.s32 @p2 $0x1082  }
0x22: {  	[simem:s7], [sflag:s8] =	dma.local @!p0 [hbm:s6], $0xF7A  }
0x23: {  	s9 =	sor.u32 $0xD0000000, s2;
	s6 =	simm.s32 $0x108;
	_ =	swait.ge @!p0 [sflag:s8], $0x0  }
0x24: {  	s3 =	sadd.s32 $0x88, s3;
	s6 =	simm.s32 @!p1 $0x1082;
	[sflag:s4] =	ssyncset.s32 $0xFFFFF086  }
0x25: {  	[simem:s6], [sflag:s4] =	dma.local [hbm:s3], $0xF7A  }
0x26: {  	[smem:$0x3FA0] =	sst s1;
	(tag) =	ssettag s2;
	_ =	strace s9  }
0x27: {  	s1 =	sld [smem:$0x3FB0]  }
0x28: {  	s2 =	sld [smem:$0x3FB1]  }
0x29: {  	s4 =	sld [smem:$0x3FB3]  }
0x2a: {  	p0 =	seq.s32 s5, $0x0;
	s5 =	sld [smem:$0x3FB4]  }
0x2b: {  	s6 =	sld [smem:$0x3FB5]  }
0x2c: {  	s7 =	sld [smem:$0x3FB6]  }
0x2d: {  	s3 =	simm.s32 $0x108;
	s8 =	sld [smem:$0x3FB7]  }
0x2e: {  	s3 =	simm.s32 @!p0 $0x1082;
	s9 =	sld [smem:$0x3FB8]  }
0x2f: {  	lr =	sadd.s32 s0, s3;
	s0 =	sld [smem:$0x3FAF]  }
0x30: {  	s3 =	sld [smem:$0x3FB2]  }
0x31: {  	[smem:$0x3FBB] =	sst s10  }
0x32: {  	s10 =	sld [smem:$0x3FB9];
	_ =	sdelay $0x3  }
0x33: {  	p0 =	seq.s32 s10, $0x1;
	s10 =	sld [smem:$0x3FBB];
	_ =	sdelay $0x3  }
0x34: {  	[smem:$0x3FBB] =	sst s10  }
0x35: {  	s10 =	sld [smem:$0x3FBA];
	_ =	sdelay $0x3  }
0x36: {  	p1 =	seq.s32 s10, $0x1;
	s10 =	sld [smem:$0x3FBB];
	_ =	sdelay $0x3  }
0x37: {  	[smem:$0x3FBB] =	sst s10  }
0x38: {  	s10 =	sld [smem:$0x3FBC]  }
0x39: {  	_ = 	snop;
	(pc) =	sbr.ind lr, $3  }
0x3a: {  	_ = 	snop  }
0x3b: {  	_ = 	snop  }
0x3c: {  	p2 =	seq.s32 s10, $0x1;
	s10 =	sld [smem:$0x3FBB]  }
0x3d: {  	_ =	shalt  }
0x3e: {  	_ =	shalt  }
0x3f: {  	_ =	shalt  }
0x40: {  	_ =	shalt  }
0x41: {  	_ =	shalt  }
0x42: {  	_ =	shalt  }
0x43: {  	_ =	shalt  }
0x44: {  	_ =	shalt  }
0x45: {  	_ =	shalt  }
0x46: {  	_ =	shalt  }
0x47: {  	_ =	shalt  }
0x48: {  	_ =	shalt  }
0x49: {  	_ =	shalt  }
0x4a: {  	_ =	shalt  }
0x4b: {  	_ =	shalt  }
0x4c: {  	_ =	shalt  }
0x4d: {  	_ =	shalt  }
0x4e: {  	_ =	shalt  }
0x4f: {  	_ =	shalt  }
0x50: {  	_ =	shalt  }
0x51: {  	_ =	shalt  }
0x52: {  	_ =	shalt  }
0x53: {  	_ =	shalt  }
0x54: {  	_ =	shalt  }
0x55: {  	_ =	shalt  }
0x56: {  	_ =	shalt  }
0x57: {  	_ =	shalt  }
0x58: {  	_ =	shalt  }
0x59: {  	_ =	shalt  }
0x5a: {  	_ =	shalt  }
0x5b: {  	_ =	shalt  }
0x5c: {  	_ =	shalt  }
0x5d: {  	_ =	shalt  }
0x5e: {  	_ =	shalt  }
0x5f: {  	_ =	shalt  }
0x60: {  	_ =	shalt  }
0x61: {  	_ =	shalt  }
0x62: {  	_ =	shalt  }
0x63: {  	_ =	shalt  }
0x64: {  	_ =	shalt  }
0x65: {  	_ =	shalt  }
0x66: {  	_ =	shalt  }
0x67: {  	_ =	shalt  }
0x68: {  	_ =	shalt  }
0x69: {  	_ =	shalt  }
0x6a: {  	_ =	shalt  }
0x6b: {  	_ =	shalt  }
0x6c: {  	_ =	shalt  }
0x6d: {  	_ =	shalt  }
0x6e: {  	_ =	shalt  }
0x6f: {  	_ =	shalt  }
0x70: {  	_ =	shalt  }
0x71: {  	_ =	shalt  }
0x72: {  	_ =	shalt  }
0x73: {  	_ =	shalt  }
0x74: {  	_ =	shalt  }
0x75: {  	_ =	shalt  }
0x76: {  	_ =	shalt  }
0x77: {  	_ =	shalt  }
0x78: {  	_ =	shalt  }
0x79: {  	_ =	shalt  }
0x7a: {  	_ =	shalt  }
0x7b: {  	_ =	shalt  }
0x7c: {  	_ =	shalt  }
0x7d: {  	_ =	shalt  }
0x7e: {  	_ =	shalt  }
0x7f: {  	_ =	shalt  }
0x80: {  	_ =	shalt  }
0x81: {  	_ =	shalt  }
0x82: {  	_ =	shalt  }
0x83: {  	_ =	shalt  }
0x84: {  	_ =	shalt  }
0x85: {  	_ =	shalt  }
0x86: {  	_ =	shalt  }
0x87: {  	_ =	shalt  }
.Lfunc_end0:
.L_simem_size_0:
called_computation_lowered:
.L_overlay_start_0:
0x88: {  	s2 =	sld [smem:$0x3FD9]  }
0x89: {  	s3 =	sld [smem:$0x3FFE];
	_ =	sdelay $0x1  }
0x8a: {  	s1 =	srdreg.scid  }
0x8b: {  	s0 =	sand.u32 $0x1, s1  }
0x8c: {  	s17 =	sshll.u32 s0, $0xA;
	s2 =	sadd.s32 s3, s2  }
0x8d: {  	s2 =	sadd.s32 s2, s17  }
0x8e: {  	[smem:$0x3FC7] =	sst s2  }
0x8f: {  	_ = 	snop  }
0x90: {  	s2 =	sld [smem:$0x3FD0];
	(tm) =	ssettm $0x1  }
0x91: {  	s18 =	sld [smem:$0x3FFB];
	_ =	sdelay $0x3  }
0x92: {  	_ =	strace s18  }
0x93: {  	s3 =	sld [smem:$0x3FFC];
	_ =	sdelay $0x3  }
0x94: {  	_ =	strace s3  }
0x95: {  	s3 =	sld [smem:$0x3FFD];
	_ =	sdelay $0x3  }
0x96: {  	_ =	strace s3  }
0x97: {  	_ =	strace $0x8FFFFFFF  }
0x98: {  	s19 =	sld [smem:$0x3FDB];
	_ =	sdelay $0x1  }
0x99: {  	s4 =	simm.s32 $_scs_section_size  }
0x9a: {  	s5 =	simm.s32 $_size__tile_overlayer_lowered;
	s6 =	simm.s32 $_tile_overlayer_lowered  }
0x9b: {  	s22 =	simm.s32 $0x1BFF;
	s21 =	sshll.u32 s6, $0x1;
	s3 =	sadd.s32 s4, s19  }
0x9c: {  	s7 =	simm.s32 $0x0;
	s20 =	sshll.u32 s5, $0x1;
	s5 =	sadd.s32 s21, s3  }
0x9d: {  	[timem:s7], [sflag:s22] =	dma.local [hbm:s5], s20  }
0x9e: {  	_ =	swait.ge [sflag:s22], s20  }
0x9f: {  	s4 =	ssub.s32 $0x0, s20;
	[sflag:s22] =	ssyncset.done $0x0  }
0xa0: {  	[sflag:s22] =	ssyncadd.s32 s4;
	_ =	sdelay $0x1  }
0xa1: {  	s23 =	simm.s32 $0x1B8B  }
0xa2: {  	_ =	swait.ge [sflag:s23], $0x1  }
0xa3: {  	[sflag:s23] =	ssyncset.done $0x0  }
0xa4: {  	s25 =	simm.s32 $0x1B8E;
	s24 =	sld [smem:$0x3FFE];
	[sflag:s23] =	ssyncadd.s32 $0xFFFFFFFF  }
0xa5: {  	s26 =	simm.s32 $execute0_lowered;
	[smem:$0x3FD2] =	sst s25  }
0xa6: {  	s5 =	sshll.u32 s26, $0x1;
	_ =	strace $0x80000046;
	[dreg:$0x1] =	wrdreg $0xFFFFFFFF  }
0xa7: {  	s28 =	simm.s32 $_size_execute0_lowered;
	s3 =	sadd.s32 s3, s5;
	[dreg:$0x0] =	wrdreg $0x0  }
0xa8: {  	s5 =	sshll.u32 s28, $0x1;
	[dreg:$0x2] =	wrdreg s3  }
0xa9: {  	[dreg:$0x3] =	wrdreg s5  }
0xaa: {  	[dreg:$0x4] =	wrdreg $0xC0  }
0xab: {  	_ =	task [dreg:s7], $0x5FFFF  }
0xac: {  	[dreg:$0x1] =	wrdreg $0xFFFFFFFF  }
0xad: {  	[dreg:$0x0] =	wrdreg $0x60  }
0xae: {  	[dreg:$0x2] =	wrdreg s2  }
0xaf: {  	[dreg:$0x3] =	wrdreg s24  }
0xb0: {  	[dreg:$0x4] =	wrdreg $0x9  }
0xb1: {  	_ =	task.clear_ibuf [dreg:s7], $0x5FFFF;
	_ =	strace $0x90000046  }
0xb2: {  	s29 =	simm.s32 $0x9;
	_ =	strace $0x80000048  }
0xb3: {  	_ =	swait.ge [sflag:s29], $0x1  }
0xb4: {  	[sflag:s29] =	ssyncadd.s32 $0xFFFFFFFF  }
0xb5: {  	_ =	strace $0x90000048  }
0xb6: {  	_ =	sfence  }
0xb7: {  	s30 =	sld [smem:$0x0];
	_ =	sdelay $0x2  }
0xb8: {  	s31 =	sshll.u32 s1, $0xD;
	s1 =	sshrl.u32 s1, $0x2  }
0xb9: {  	s3 =	sand.u32 $0x4000, s31;
	s1 =	sadd.s32 s1, s30  }
0xba: {  	s0 =	sor.u32 s3, s0;
	s1 =	sshll.u32 s1, $0x11  }
0xbb: {  	s0 =	sor.u32 s1, s0  }
0xbc: {  	s0 =	sadd.s32 $0x8F2B, s0  }
0xbd: {  	[sflag:s0] =	ssyncadd.remote.s32 $0x1  }
0xbe: {  	_ =	sfence.sel $0xFFFF  }
0xbf: {  	[dreg:$0x0] =	wrdreg $0xFFFFFFFF;
	(pc) =	sbr.abs _section_cstart, $3  }
0xc0: {  	[dreg:$0x1] =	wrdreg $0xFFFFFFFF  }
0xc1: {  	_ =	task.clear_ibuf [dreg:s7], $0x2FFFF;
	_ =	strace $0x9FFFFFFF  }
0xc2: {  	(tm) =	ssettm $0x7FFFFFFF  }
0xc3: {  	_ =	shalt  }
tec
execute0_lowered:
.L_overlay_start_1:
0x0: {  	(tag) =	ssettag $0x1  }
0x1: {  	s1 =	rddreg [dreg:$0x0]  }
0x2: {  	s5 =	rddreg [dreg:$0x1];
	s2 =	srdreg.scid  }
0x3: {  	s0 =	rddreg [dreg:$0x2];
	s3 =	simm.s32 $0x0;
	s9 =	simm.s32 $0x2710  }
0x4: {  	s10 =	simm.s32 $0x0;
	s4 =	sand.u32 $0x1, s2;
	s2 =	stileid.u32  }
0x5: {  	[smem:$0x7FF] =	sst s3;
	s6 =	ssub.s32 $0x2, s4;
	s4 =	sshll.u32 s4, $0x4  }
0x6: {  	s5 =	sadd.s32 $0x400, s5;
	s7 =	sshrl.u32 s6, $0x1;
	s8 =	sor.u32 s2, s4  }
0x7: {  	_ =	strace $0x80000047;
	s7 =	ssub.s32 s6, s7;
	s4 =	smul.u32 $0x2710, s8  }
0x8: {  	v0 =	vimm.f32 $0.0e+00;
	v1 =	vimm.f32 $1.000000000e+00;
	s6 =	smul.u32 $0x13880, s8;
	s8 =	simm.s32 $0x1;
	s7 =	smax.u32 s7, $0x1  }
.LBB2_1:
0x9: {  	s11 =	simm.s32 $0x0  }
.LBB2_2:
0xa: {  	s12 =	simm.s32 $0x40;
	s13 =	simm.s32 $0x0  }
.LBB2_3:
0xb: {  	p0 =	sne.s32 s12, $0x9C00;
	[tilespmem:s13+$0x2710] =	vst v0;
	s13 =	smov.u32 s12;
	s12 =	sadd.s32 $0x40, s12  }
.Ltmp0:
0xc: {  	(pc) =	sbr.rel @p0 .LBB2_3-.Ltmp0, $2  }
0xd: {  	_ =	sdelay $0x2  }
0xe: {  	s13 =	sshra.s32 s13, $0x2  }
0xf: {  	s12 =	smul.u32 $0x4E200, s11;
	_ =	sdelay $0x1  }
0x10: {  	s12 =	sadd.s32 s4, s12  }
0x11: {  	s12 =	sshrl.u32 s12, $0x3  }
0x12: {  	[tilespmem:s13+$0x2710] =	vst v0;
	s31 =	simm.s32 $0x0;
	s12 =	sadd.s32 s1, s12  }
0x13: {  	[tilespmem:s31], [sflag:$0x1] =	stream.linear.gather [hbm4b:s12+s31], $0x2710, $0x38;
	[tilespmem:$0x4E20] =	vst v63  }
0x14: {  	_ =	swait.ge [sflag:s8], $0x2710  }
0x15: {  	[sflag:s8] =	ssyncset.done $0x0  }
0x16: {  	s13 =	simm.s32 $0x0;
	s12 =	simm.s32 $0x40;
	[sflag:s8] =	ssyncadd.s32 $0xFFFFD8F0  }
.LBB2_5:
0x17: {  	p0 =	sne.s32 s12, $0x9C00;
	v2 =	vld [tilespmem:s13+$0x0];
	_ =	sdelay $0x3  }
.Ltmp1:
0x18: {  	(pc) =	sbr.rel @p0 .LBB2_5-.Ltmp1, $2  }
0x19: {  	_ =	sdelay $0x2  }
0x1a: {  	s13 =	sshra.s32 s12, $0x2;
	s12 =	sadd.s32 $0x40, s12;
	[tilespmem:v2+s9+$0x0] =	vst.idx.add.f32.msk $0xffff, v1  }
0x1b: {  	v2 =	vld [tilespmem:s13+$0x0];
	_ =	sdelay $0x3  }
0x1c: {  	s12 =	smul.u32 $0x2710, s11;
	_ =	sdelay $0x1  }
0x1d: {  	s11 =	sadd.s32 $0x1, s11;
	s12 =	sadd.s32 s6, s12  }
0x1e: {  	p0 =	sne.s32 s11, $0x8;
	s12 =	sshrl.u32 s12, $0x3  }
.Ltmp2:
0x1f: {  	s12 =	sadd.s32 s5, s12;
	[tilespmem:v2+s9+$0x0] =	vst.idx.add.f32.msk $0xffff, v1;
	(pc) =	sbr.rel @p0 .LBB2_2-.Ltmp2, $4  }
0x20: {  	[hbm4b:s12+s3] =	stream.linear.scatter [tilespmem:s9], [sflag:$0x1], $0x2710, $0x38;
	[tilespmem:$0x4E20] =	vst v63  }
0x21: {  	_ =	swait.ge [sflag:s8], $0x2710  }
0x22: {  	[sflag:s8] =	ssyncset.done $0x0  }
0x23: {  	[sflag:s8] =	ssyncadd.s32 $0xFFFFD8F0  }
0x24: {  	s10 =	sadd.s32 $0x1, s10  }
0x25: {  	p0 =	sne.s32 s10, s7  }
.Ltmp3:
0x26: {  	_ = 	snop;
	(pc) =	sbr.rel @p0 .LBB2_1-.Ltmp3, $1  }
0x27: {  	_ =	sdelay $0x3  }
0x28: {  	_ =	sfence.sel $0x180000  }
0x29: {  	[bflag:$0x0] =	sbarrier.arrive $0xFFFF  }
0x2a: {  	p0 =	sne.s32 s2, $0x0;
	_ =	strace $0x90000047  }
0x2b: {  	s0 =	sadd.s32 @!p0 $0x100000, s0;
	[bflag:$0x2] =	sbarrier.arrive $0xFFFF  }
0x2c: {  	[sflag:s0] =	ssyncadd.tile.s32 @!p0 $0x1;
	_ =	shalt  }
.Lfunc_end2:
_tile_overlayer_lowered:
.L_overlay_start_2:
0x2d: {  	(tag) =	ssettag $0x2  }
0x2e: {  	s0 =	rddreg [dreg:$0x0];
	s2 =	stileid.u32  }
0x2f: {  	s1 =	rddreg [dreg:$0x1];
	p0 =	sne.s32 s2, $0x0  }
0x30: {  	s3 =	rddreg [dreg:$0x2];
	[bflag:$0x3] =	sbarrier.arrive $0xFFFF;
	s2 =	simm.s32 @!p0 $0x1C02  }
0x31: {  	[timem:s3], [sflag:s2] =	dma.local @!p0 [hbm:s0], s1  }
0x32: {  	s0 =	simm.s32 @!p0 $0x2  }
0x33: {  	_ =	swait.ge @!p0 [sflag:s0], s1  }
0x34: {  	s1 =	ssub.s32 @!p0 $0x0, s1;
	[sflag:s0] =	ssyncset.done @!p0 $0x0  }
0x35: {  	[sflag:s0] =	ssyncadd.s32 @!p0 s1  }
0x36: {  	[bflag:$0x3] =	sbarrier.arrive $0xFFFF  }
0x37: {  	_ =	shalt  }

</sc_bundles>
